<compile_context>
chip_gen: v7x
topology: tpu7x:2x2x1
jax: 0.10.2.dev20260603
libtpu: 0.0.44.dev20260713+nightly
codegen_flags: <defaults>
</compile_context>

<pallas_src>
import functools

import jax
import jax.numpy as jnp
from jax import lax
from jax.experimental import pallas as pl
from jax.experimental.pallas import tpu as pltpu
from jax.experimental.pallas import tpu_sc as plsc

_NUM_EMB = 512
_EMB_DIM = 32
_COMMIT = 0.25
_ROWS = 16 * 64 * 64
_BLK = 4096
_GRID = _ROWS // _BLK

_NW = 32
_RPW = _ROWS // _NW
_RB = 64
_NCHUNK = _RPW // _RB


def _vq_body(xt_ref, sume_ref, embT_ref, emb_ref,
             idx_ref, out_ref, hist_ref, sse_ref):
    i = pl.program_id(0)
    xt = xt_ref[0]
    x = jnp.transpose(xt)
    sumx = jnp.sum(x * x, axis=1, keepdims=True)
    mm = jnp.dot(x, embT_ref[...], preferred_element_type=jnp.float32)
    t = sumx + sume_ref[...]
    dist = t - 2.0 * mm
    iota = jax.lax.broadcasted_iota(jnp.int32, (_BLK, _NUM_EMB), 1)
    m = jnp.min(dist, axis=1, keepdims=True)
    idx = jnp.min(jnp.where(dist == m, iota, _NUM_EMB), axis=1, keepdims=True)
    idx_ref[...] = idx
    enc = (iota == idx).astype(jnp.float32)
    qt = jax.lax.dot_general(emb_ref[...], enc, (((0,), (1,)), ((), ())),
                             preferred_element_type=jnp.float32)
    out_ref[0] = xt + (qt - xt)
    d = qt - xt
    part_hist = jnp.sum(enc, axis=0, keepdims=True)
    part_sse = jnp.sum(d * d)

    @pl.when(i == 0)
    def _init():
        hist_ref[...] = part_hist
        sse_ref[0, 0] = part_sse

    @pl.when(i != 0)
    def _acc():
        hist_ref[...] = hist_ref[...] + part_hist
        sse_ref[0, 0] = sse_ref[0, 0] + part_sse


def _sc_enc_body(idx_hbm, enc_hbm, idx_v, buf_v, sem):
    wid = lax.axis_index("s") * 2 + lax.axis_index("c")
    wbase = wid * _RPW
    iota16 = lax.iota(jnp.int32, 16)
    ones16 = jnp.full((16,), 1.0, jnp.float32)
    zeros16 = jnp.zeros((16,), jnp.float32)

    def _zero(i, carry):
        p = i * 16 + iota16
        plsc.store_scatter(buf_v, [p // _NUM_EMB, p % _NUM_EMB], zeros16)
        return carry


    lax.fori_loop(0, (_RB * _NUM_EMB) // 16, _zero, 0)

    def _scatter(vals):
        for g in range(_RB // 16):
            codes = idx_v[pl.ds(g * 16, 16)]
            r = g * 16 + iota16
            plsc.store_scatter(buf_v, [r, codes], vals)

    def _chunk(c, carry):
        base = wbase + c * _RB
        pltpu.sync_copy(idx_hbm.at[pl.ds(base, _RB)], idx_v)
        _scatter(ones16)
        pltpu.sync_copy(buf_v, enc_hbm.at[pl.ds(base, _RB)])
        _scatter(zeros16)
        return carry

    lax.fori_loop(0, _NCHUNK, _chunk, 0)


@functools.partial(jax.jit, static_argnames=())
def kernel(inputs, embedding):
    xt3 = inputs.reshape(16, _EMB_DIM, 64 * 64)
    sume = jnp.sum(embedding ** 2, axis=1).reshape(1, -1)
    embT = embedding.T

    n_sub = (64 * 64) // _BLK if _BLK <= 64 * 64 else 1
    blk_hw = min(_BLK, 64 * 64)

    idx2, out3, hist, sse = pl.pallas_call(
        _vq_body,
        grid=(_GRID,),
        in_specs=[
            pl.BlockSpec((1, _EMB_DIM, blk_hw),
                         lambda i: (i // n_sub, 0, i % n_sub)),
            pl.BlockSpec((1, _NUM_EMB), lambda i: (0, 0)),
            pl.BlockSpec((_EMB_DIM, _NUM_EMB), lambda i: (0, 0)),
            pl.BlockSpec((_NUM_EMB, _EMB_DIM), lambda i: (0, 0)),
        ],
        out_specs=[
            pl.BlockSpec((_BLK, 1), lambda i: (i, 0)),
            pl.BlockSpec((1, _EMB_DIM, blk_hw),
                         lambda i: (i // n_sub, 0, i % n_sub)),
            pl.BlockSpec((1, _NUM_EMB), lambda i: (0, 0)),
            pl.BlockSpec(memory_space=pltpu.SMEM, block_shape=(1, 1),
                         index_map=lambda i: (0, 0)),
        ],
        out_shape=[
            jax.ShapeDtypeStruct((_ROWS, 1), jnp.int32),
            jax.ShapeDtypeStruct((16, _EMB_DIM, 64 * 64), jnp.float32),
            jax.ShapeDtypeStruct((1, _NUM_EMB), jnp.float32),
            jax.ShapeDtypeStruct((1, 1), jnp.float32),
        ],
    )(xt3, sume, embT, embedding)

    sc_enc = functools.partial(
        pl.kernel,
        mesh=plsc.VectorSubcoreMesh(core_axis_name="c", subcore_axis_name="s"),
        out_type=jax.ShapeDtypeStruct((_ROWS, _NUM_EMB), jnp.float32),
        scratch_types=[
            pltpu.VMEM((_RB,), jnp.int32),
            pltpu.VMEM((_RB, _NUM_EMB), jnp.float32),
            pltpu.SemaphoreType.DMA,
        ],
        compiler_params=pltpu.CompilerParams(needs_layout_passes=False,
                                             use_tc_tiling_on_sc=True),
    )(_sc_enc_body)
    enc = sc_enc(idx2.reshape(-1))

    n_el = _ROWS * _EMB_DIM
    mse = sse[0, 0] / n_el
    loss = mse + _COMMIT * mse
    out = out3.reshape(16, _EMB_DIM, 64, 64)
    avg_probs = hist[0] / _ROWS
    perplexity = jnp.exp(-jnp.sum(avg_probs * jnp.log(avg_probs + 1e-10)))
    return (loss, out, perplexity, enc)

# --- scband reference (transcript-rebuilt; emitter-appended) ---
"""Pipeline reference for scband-vqvae-65000035058431 (READ-ONLY COPY).

The authoritative reference and input builder live on the scoring server;
editing this copy changes nothing except your own understanding.
"""

import jax, jax.numpy as jnp
import numpy as np

NUM_EMB = 512
EMB_DIM = 32
COMMITMENT_COST = 0.25


def setup_inputs(seed: int = 0) -> dict:
    key = jax.random.key(seed)
    k1, k2 = jax.random.split(key)
    inputs = jax.random.normal(k1, (16, EMB_DIM, 64, 64), dtype=jnp.float32)
    embedding = jax.random.uniform(k2, (NUM_EMB, EMB_DIM), dtype=jnp.float32,
                                   minval=-1.0 / NUM_EMB, maxval=1.0 / NUM_EMB)
    return {"inputs": inputs, "embedding": embedding}


def reference(inputs, embedding):
    # NCHW -> NHWC
    x = jnp.transpose(inputs, (0, 2, 3, 1))
    input_shape = x.shape
    flat = x.reshape(-1, embedding.shape[1])
    # squared L2 distances to every codebook entry
    distances = (jnp.sum(flat ** 2, axis=1, keepdims=True)
                 + jnp.sum(embedding ** 2, axis=1)
                 - 2.0 * jnp.matmul(flat, embedding.T))
    encoding_indices = jnp.argmin(distances, axis=1)
    encodings = jax.nn.one_hot(encoding_indices, embedding.shape[0], dtype=jnp.float32)
    quantized = jnp.matmul(encodings, embedding).reshape(input_shape)
    e_latent_loss = jnp.mean((jax.lax.stop_gradient(quantized) - x) ** 2)
    q_latent_loss = jnp.mean((quantized - jax.lax.stop_gradient(x)) ** 2)
    loss = q_latent_loss + COMMITMENT_COST * e_latent_loss
    # straight-through estimator
    quantized_st = x + jax.lax.stop_gradient(quantized - x)
    avg_probs = jnp.mean(encodings, axis=0)
    perplexity = jnp.exp(-jnp.sum(avg_probs * jnp.log(avg_probs + 1e-10)))
    out = jnp.transpose(quantized_st, (0, 3, 1, 2))
    return (loss, out, perplexity, encodings)

if __name__ == "__main__":
    import jax
    _d = setup_inputs()
    print(jax.jit(kernel)(*tuple(_d.values())))

</pallas_src>

<mosaic_0001>
#map = affine_map<(d0, d1) -> (0)>
#map1 = affine_map<(d0, d1) -> (0, 0)>
module attributes {stable_mosaic.version = 14 : i64} {
  func.func @_sc_enc_body(%arg0: i32, %arg1: i32, %arg2: memref<65536xi32, #tpu.memory_space<hbm>>, %arg3: memref<65536x512xf32, #tpu.memory_space<hbm>>, %arg4: memref<64xi32, #tpu.memory_space<vmem>>, %arg5: memref<64x512xf32, #tpu.memory_space<vmem>>, %arg6: memref<!tpu.dma_semaphore, #tpu.memory_space<semaphore_mem>>) attributes {dimension_semantics = [#tpu.dimension_semantics<core_parallel>, #tpu.dimension_semantics<subcore_parallel>], iteration_bounds = array<i64: 2, 16>, scalar_prefetch = 0 : i64, scratch_operands = 3 : i64, tpu.core_type = #tpu.core_type<sc_vector_subcore>, window_params = [{transform_indices = #map}, {transform_indices = #map1}]} {
    %mul3A = arith.constant 2 : i32
    %mul3A_0 = arith.muli %arg1, %mul3A : i32
    %add3A = arith.addi %mul3A_0, %arg0 : i32
    %mul3A_1 = arith.constant 2048 : i32
    %mul3A_2 = arith.muli %add3A, %mul3A_1 : i32
    %iota3A = tpu.iota {dimensions = array<i32: 0>} : vector<16xi32>
    %broadcast_in_dim3A = arith.constant 1.000000e+00 : f32
    %broadcast_in_dim3A_3 = vector.broadcast %broadcast_in_dim3A : f32 to vector<16xf32>
    %broadcast_in_dim3A_4 = arith.constant 0.000000e+00 : f32
    %broadcast_in_dim3A_5 = vector.broadcast %broadcast_in_dim3A_4 : f32 to vector<16xf32>
    %scan3A = arith.constant 0 : i32
    %scan3A_6 = arith.constant 0 : i32
    %scan3A_7 = arith.constant 2048 : i32
    %scan3A_8 = arith.addi %scan3A_6, %scan3A_7 : i32
    %scan3A_9 = arith.constant 1 : i32
    scf.for %scan3A_17 = %scan3A_6 to %scan3A_8 step %scan3A_9  : i32 {
      %mul3A_18 = arith.constant 16 : i32
      %mul3A_19 = arith.muli %scan3A_17, %mul3A_18 : i32
      %add3A_20 = vector.broadcast %mul3A_19 : i32 to vector<16xi32>
      %add3A_21 = arith.addi %add3A_20, %iota3A : vector<16xi32>
      %jit3A = arith.constant 512 : i32
      %div3A = vector.broadcast %jit3A : i32 to vector<16xi32>
      %div3A_22 = arith.divsi %add3A_21, %div3A : vector<16xi32>
      %sign3A = arith.constant 0 : i32
      %sign3A_23 = vector.broadcast %sign3A : i32 to vector<16xi32>
      %sign3A_24 = arith.cmpi sgt, %add3A_21, %sign3A_23 : vector<16xi32>
      %sign3A_25 = arith.extui %sign3A_24 : vector<16xi1> to vector<16xi32>
      %sign3A_26 = arith.constant 0 : i32
      %sign3A_27 = vector.broadcast %sign3A_26 : i32 to vector<16xi32>
      %sign3A_28 = arith.cmpi slt, %add3A_21, %sign3A_27 : vector<16xi32>
      %sign3A_29 = arith.extui %sign3A_28 : vector<16xi1> to vector<16xi32>
      %sign3A_30 = arith.subi %sign3A_25, %sign3A_29 : vector<16xi32>
      %sign3A_31 = arith.constant 0 : i32
      %sign3A_32 = arith.cmpi sgt, %jit3A, %sign3A_31 : i32
      %sign3A_33 = arith.extui %sign3A_32 : i1 to i32
      %sign3A_34 = arith.constant 0 : i32
      %sign3A_35 = arith.cmpi slt, %jit3A, %sign3A_34 : i32
      %sign3A_36 = arith.extui %sign3A_35 : i1 to i32
      %sign3A_37 = arith.subi %sign3A_33, %sign3A_36 : i32
      %ne3A = vector.broadcast %sign3A_37 : i32 to vector<16xi32>
      %ne3A_38 = arith.cmpi ne, %sign3A_30, %ne3A : vector<16xi32>
      %rem3A = vector.broadcast %jit3A : i32 to vector<16xi32>
      %rem3A_39 = arith.remsi %add3A_21, %rem3A : vector<16xi32>
      %ne3A_40 = arith.constant 0 : i32
      %ne3A_41 = vector.broadcast %ne3A_40 : i32 to vector<16xi32>
      %ne3A_42 = arith.cmpi ne, %rem3A_39, %ne3A_41 : vector<16xi32>
      %and3A = arith.andi %ne3A_38, %ne3A_42 : vector<16xi1>
      %sub3A = arith.constant 1 : i32
      %sub3A_43 = vector.broadcast %sub3A : i32 to vector<16xi32>
      %sub3A_44 = arith.subi %div3A_22, %sub3A_43 : vector<16xi32>
      %select_n3A = arith.select %and3A, %sub3A_44, %div3A_22 : vector<16xi1>, vector<16xi32>
      %jit3A_45 = arith.constant 512 : i32
      %eq3A = arith.constant 0 : i32
      %eq3A_46 = arith.cmpi eq, %jit3A_45, %eq3A : i32
      %jit3A_47 = arith.constant 1 : i32
      %select_n3A_48 = arith.select %eq3A_46, %jit3A_47, %jit3A_45 : i32
      %rem3A_49 = vector.broadcast %select_n3A_48 : i32 to vector<16xi32>
      %rem3A_50 = arith.remsi %add3A_21, %rem3A_49 : vector<16xi32>
      %ne3A_51 = arith.constant 0 : i32
      %ne3A_52 = vector.broadcast %ne3A_51 : i32 to vector<16xi32>
      %ne3A_53 = arith.cmpi ne, %rem3A_50, %ne3A_52 : vector<16xi32>
      %lt3A = arith.constant 0 : i32
      %lt3A_54 = vector.broadcast %lt3A : i32 to vector<16xi32>
      %lt3A_55 = arith.cmpi slt, %rem3A_50, %lt3A_54 : vector<16xi32>
      %lt3A_56 = arith.constant 0 : i32
      %lt3A_57 = arith.cmpi slt, %select_n3A_48, %lt3A_56 : i32
      %ne3A_58 = vector.broadcast %lt3A_57 : i1 to vector<16xi1>
      %ne3A_59 = vector.broadcast %ne3A_58 : vector<16xi1> to vector<16xi1>
      %ne3A_60 = arith.xori %lt3A_55, %ne3A_59 : vector<16xi1>
      %and3A_61 = arith.andi %ne3A_60, %ne3A_53 : vector<16xi1>
      %add3A_62 = vector.broadcast %select_n3A_48 : i32 to vector<16xi32>
      %add3A_63 = arith.addi %rem3A_50, %add3A_62 : vector<16xi32>
      %select_n3A_64 = arith.select %and3A_61, %add3A_63, %rem3A_50 : vector<16xi1>, vector<16xi32>
      tpu.vector_store_idx %arg5[%select_n3A, %select_n3A_64], %broadcast_in_dim3A_5 : memref<64x512xf32, #tpu.memory_space<vmem>>[vector<16xi32>, vector<16xi32>], vector<16xf32>,
    }
    %scan3A_10 = arith.constant 2048 : i32
    %scan3A_11 = arith.constant 0 : i32
    %scan3A_12 = arith.constant 0 : i32
    %scan3A_13 = arith.constant 32 : i32
    %scan3A_14 = arith.addi %scan3A_12, %scan3A_13 : i32
    %scan3A_15 = arith.constant 1 : i32
    scf.for %scan3A_17 = %scan3A_12 to %scan3A_14 step %scan3A_15  : i32 {
      %mul3A_18 = arith.constant 64 : i32
      %mul3A_19 = arith.muli %scan3A_17, %mul3A_18 : i32
      %add3A_20 = arith.addi %mul3A_2, %mul3A_19 : i32
      "tpu.region"() ({
        %run_scoped3A = tpu.sem_alloc : memref<!tpu.dma_semaphore, #tpu.memory_space<semaphore_mem>>
        %dma_start3A = tpu.memref_slice %arg2[%add3A_20] : memref<65536xi32, #tpu.memory_space<hbm>> -> memref<64xi32, #tpu.memory_space<hbm>>
        %dma_start3A_60 = tpu.memref_slice %arg2[%add3A_20] : memref<65536xi32, #tpu.memory_space<hbm>> -> memref<64xi32, #tpu.memory_space<hbm>>
        tpu.enqueue_dma source(%dma_start3A_60 : memref<64xi32, #tpu.memory_space<hbm>>) target(%arg4 : memref<64xi32, #tpu.memory_space<vmem>>) target_semaphore(%run_scoped3A : memref<!tpu.dma_semaphore, #tpu.memory_space<semaphore_mem>>)
        %dma_wait3A = tpu.memref_slice %arg2[%add3A_20] : memref<65536xi32, #tpu.memory_space<hbm>> -> memref<64xi32, #tpu.memory_space<hbm>>
        %dma_wait3A_61 = tpu.memref_slice %arg2[%add3A_20] : memref<65536xi32, #tpu.memory_space<hbm>> -> memref<64xi32, #tpu.memory_space<hbm>>
        tpu.wait_dma2 semaphore(%run_scoped3A : memref<!tpu.dma_semaphore, #tpu.memory_space<semaphore_mem>>) src(%dma_wait3A_61 : memref<64xi32, #tpu.memory_space<hbm>>) dst(%arg4 : memref<64xi32, #tpu.memory_space<vmem>>)
        tpu.yield
      }) : () -> ()
      %get3A = arith.constant 0 : index
      %get3A_21 = tpu.vector_load %arg4[%get3A] {strides = array<i32>} : memref<64xi32, #tpu.memory_space<vmem>>, vector<16xi32>,
      %add3A_22 = arith.constant 0 : i32
      %add3A_23 = vector.broadcast %add3A_22 : i32 to vector<16xi32>
      %add3A_24 = arith.addi %add3A_23, %iota3A : vector<16xi32>
      tpu.vector_store_idx %arg5[%add3A_24, %get3A_21], %broadcast_in_dim3A_3 : memref<64x512xf32, #tpu.memory_space<vmem>>[vector<16xi32>, vector<16xi32>], vector<16xf32>,
      %get3A_25 = arith.constant 16 : index
      %get3A_26 = tpu.vector_load %arg4[%get3A_25] {strides = array<i32>} : memref<64xi32, #tpu.memory_space<vmem>>, vector<16xi32>,
      %add3A_27 = arith.constant 16 : i32
      %add3A_28 = vector.broadcast %add3A_27 : i32 to vector<16xi32>
      %add3A_29 = arith.addi %add3A_28, %iota3A : vector<16xi32>
      tpu.vector_store_idx %arg5[%add3A_29, %get3A_26], %broadcast_in_dim3A_3 : memref<64x512xf32, #tpu.memory_space<vmem>>[vector<16xi32>, vector<16xi32>], vector<16xf32>,
      %get3A_30 = arith.constant 32 : index
      %get3A_31 = tpu.vector_load %arg4[%get3A_30] {strides = array<i32>} : memref<64xi32, #tpu.memory_space<vmem>>, vector<16xi32>,
      %add3A_32 = arith.constant 32 : i32
      %add3A_33 = vector.broadcast %add3A_32 : i32 to vector<16xi32>
      %add3A_34 = arith.addi %add3A_33, %iota3A : vector<16xi32>
      tpu.vector_store_idx %arg5[%add3A_34, %get3A_31], %broadcast_in_dim3A_3 : memref<64x512xf32, #tpu.memory_space<vmem>>[vector<16xi32>, vector<16xi32>], vector<16xf32>,
      %get3A_35 = arith.constant 48 : index
      %get3A_36 = tpu.vector_load %arg4[%get3A_35] {strides = array<i32>} : memref<64xi32, #tpu.memory_space<vmem>>, vector<16xi32>,
      %add3A_37 = arith.constant 48 : i32
      %add3A_38 = vector.broadcast %add3A_37 : i32 to vector<16xi32>
      %add3A_39 = arith.addi %add3A_38, %iota3A : vector<16xi32>
      tpu.vector_store_idx %arg5[%add3A_39, %get3A_36], %broadcast_in_dim3A_3 : memref<64x512xf32, #tpu.memory_space<vmem>>[vector<16xi32>, vector<16xi32>], vector<16xf32>,
      "tpu.region"() ({
        %run_scoped3A = tpu.sem_alloc : memref<!tpu.dma_semaphore, #tpu.memory_space<semaphore_mem>>
        %dma_start3A = arith.constant 0 : i32
        %dma_start3A_60 = tpu.memref_slice %arg3[%add3A_20, %dma_start3A] : memref<65536x512xf32, #tpu.memory_space<hbm>> -> memref<64x512xf32, #tpu.memory_space<hbm>>
        %dma_start3A_61 = arith.constant 0 : i32
        %dma_start3A_62 = tpu.memref_slice %arg3[%add3A_20, %dma_start3A_61] : memref<65536x512xf32, #tpu.memory_space<hbm>> -> memref<64x512xf32, #tpu.memory_space<hbm>>
        tpu.enqueue_dma source(%arg5 : memref<64x512xf32, #tpu.memory_space<vmem>>) target(%dma_start3A_62 : memref<64x512xf32, #tpu.memory_space<hbm>>) target_semaphore(%run_scoped3A : memref<!tpu.dma_semaphore, #tpu.memory_space<semaphore_mem>>)
        %dma_wait3A = arith.constant 0 : i32
        %dma_wait3A_63 = tpu.memref_slice %arg3[%add3A_20, %dma_wait3A] : memref<65536x512xf32, #tpu.memory_space<hbm>> -> memref<64x512xf32, #tpu.memory_space<hbm>>
        %dma_wait3A_64 = arith.constant 0 : i32
        %dma_wait3A_65 = tpu.memref_slice %arg3[%add3A_20, %dma_wait3A_64] : memref<65536x512xf32, #tpu.memory_space<hbm>> -> memref<64x512xf32, #tpu.memory_space<hbm>>
        tpu.wait_dma2 semaphore(%run_scoped3A : memref<!tpu.dma_semaphore, #tpu.memory_space<semaphore_mem>>) src(%arg5 : memref<64x512xf32, #tpu.memory_space<vmem>>) dst(%dma_wait3A_65 : memref<64x512xf32, #tpu.memory_space<hbm>>)
        tpu.yield
      }) : () -> ()
      %get3A_40 = arith.constant 0 : index
      %get3A_41 = tpu.vector_load %arg4[%get3A_40] {strides = array<i32>} : memref<64xi32, #tpu.memory_space<vmem>>, vector<16xi32>,
      %add3A_42 = arith.constant 0 : i32
      %add3A_43 = vector.broadcast %add3A_42 : i32 to vector<16xi32>
      %add3A_44 = arith.addi %add3A_43, %iota3A : vector<16xi32>
      tpu.vector_store_idx %arg5[%add3A_44, %get3A_41], %broadcast_in_dim3A_5 : memref<64x512xf32, #tpu.memory_space<vmem>>[vector<16xi32>, vector<16xi32>], vector<16xf32>,
      %get3A_45 = arith.constant 16 : index
      %get3A_46 = tpu.vector_load %arg4[%get3A_45] {strides = array<i32>} : memref<64xi32, #tpu.memory_space<vmem>>, vector<16xi32>,
      %add3A_47 = arith.constant 16 : i32
      %add3A_48 = vector.broadcast %add3A_47 : i32 to vector<16xi32>
      %add3A_49 = arith.addi %add3A_48, %iota3A : vector<16xi32>
      tpu.vector_store_idx %arg5[%add3A_49, %get3A_46], %broadcast_in_dim3A_5 : memref<64x512xf32, #tpu.memory_space<vmem>>[vector<16xi32>, vector<16xi32>], vector<16xf32>,
      %get3A_50 = arith.constant 32 : index
      %get3A_51 = tpu.vector_load %arg4[%get3A_50] {strides = array<i32>} : memref<64xi32, #tpu.memory_space<vmem>>, vector<16xi32>,
      %add3A_52 = arith.constant 32 : i32
      %add3A_53 = vector.broadcast %add3A_52 : i32 to vector<16xi32>
      %add3A_54 = arith.addi %add3A_53, %iota3A : vector<16xi32>
      tpu.vector_store_idx %arg5[%add3A_54, %get3A_51], %broadcast_in_dim3A_5 : memref<64x512xf32, #tpu.memory_space<vmem>>[vector<16xi32>, vector<16xi32>], vector<16xf32>,
      %get3A_55 = arith.constant 48 : index
      %get3A_56 = tpu.vector_load %arg4[%get3A_55] {strides = array<i32>} : memref<64xi32, #tpu.memory_space<vmem>>, vector<16xi32>,
      %add3A_57 = arith.constant 48 : i32
      %add3A_58 = vector.broadcast %add3A_57 : i32 to vector<16xi32>
      %add3A_59 = arith.addi %add3A_58, %iota3A : vector<16xi32>
      tpu.vector_store_idx %arg5[%add3A_59, %get3A_56], %broadcast_in_dim3A_5 : memref<64x512xf32, #tpu.memory_space<vmem>>[vector<16xi32>, vector<16xi32>], vector<16xf32>,
    }
    %scan3A_16 = arith.constant 32 : i32
    return
  }
}

module attributes {stable_mosaic.version = 14 : i64} {
  func.func @_vq_body(%arg0: i32, %arg1: memref<1x32x4096xf32, #tpu.memory_space<vmem>>, %arg2: memref<1x512xf32, #tpu.memory_space<vmem>>, %arg3: memref<32x512xf32, #tpu.memory_space<vmem>>, %arg4: memref<512x32xf32, #tpu.memory_space<vmem>>, %arg5: memref<4096x1xi32, #tpu.memory_space<vmem>>, %arg6: memref<1x32x4096xf32, #tpu.memory_space<vmem>>, %arg7: memref<1x512xf32, #tpu.memory_space<vmem>>, %arg8: memref<1x1xf32, #tpu.memory_space<smem>>) attributes {dimension_semantics = [#tpu.dimension_semantics<arbitrary>], iteration_bounds = array<i64: 16>, scalar_prefetch = 0 : i64, scratch_operands = 0 : i64, tpu.core_type = #tpu.core_type<tc>, window_params = [{transform_indices = @transform_0, window_bounds = array<i64: 1, 32, 4096>}, {pipeline_mode = #tpu.pipeline_mode<synchronous>, transform_indices = @transform_1, window_bounds = array<i64: 1, 512>}, {pipeline_mode = #tpu.pipeline_mode<synchronous>, transform_indices = @transform_2, window_bounds = array<i64: 32, 512>}, {pipeline_mode = #tpu.pipeline_mode<synchronous>, transform_indices = @transform_3, window_bounds = array<i64: 512, 32>}, {transform_indices = @transform_4, window_bounds = array<i64: 4096, 1>}, {transform_indices = @transform_5, window_bounds = array<i64: 1, 32, 4096>}, {pipeline_mode = #tpu.pipeline_mode<synchronous>, transform_indices = @transform_6, window_bounds = array<i64: 1, 512>}, {transform_indices = @transform_7, window_bounds = array<i64: 1, 1>}]} {
    %get3A = arith.constant 0 : index
    %get3A_0 = arith.constant 0 : index
    %get3A_1 = arith.constant 0 : index
    %get3A_2 = vector.load %arg1[%get3A, %get3A_0, %get3A_1] : memref<1x32x4096xf32, #tpu.memory_space<vmem>>, vector<1x32x4096xf32>
    %get3A_3 = vector.shape_cast %get3A_2 : vector<1x32x4096xf32> to vector<32x4096xf32>
    %transpose3A = tpu.transpose %get3A_3, [1, 0] : vector<32x4096xf32> -> vector<4096x32xf32>
    %mul3A = arith.mulf %transpose3A, %transpose3A : vector<4096x32xf32>
    %reduce_sum3A = arith.constant dense<0.000000e+00> : vector<4096xf32>
    %reduce_sum3A_4 = vector.multi_reduction <add>, %mul3A, %reduce_sum3A [1] : vector<4096x32xf32> to vector<4096xf32>
    %broadcast_in_dim3A = vector.shape_cast %reduce_sum3A_4 : vector<4096xf32> to vector<4096x1xf32>
    %get3A_5 = arith.constant 0 : index
    %get3A_6 = arith.constant 0 : index
    %get3A_7 = vector.load %arg3[%get3A_5, %get3A_6] : memref<32x512xf32, #tpu.memory_space<vmem>>, vector<32x512xf32>
    %dot_general3A = arith.constant dense<0.000000e+00> : vector<4096x512xf32>
    %dot_general3A_8 = tpu.matmul %transpose3A, %get3A_7, %dot_general3A {dimension_numbers = #tpu.dot_dimension_numbers<[1], [0], [0], [1], [0, 0, 1, 1], [], []>, transpose_lhs_hint = false} : vector<4096x32xf32>, vector<32x512xf32>, vector<4096x512xf32> -> vector<4096x512xf32>
    %get3A_9 = arith.constant 0 : index
    %get3A_10 = arith.constant 0 : index
    %get3A_11 = vector.load %arg2[%get3A_9, %get3A_10] : memref<1x512xf32, #tpu.memory_space<vmem>>, vector<1x512xf32>
    %add3A = vector.broadcast %broadcast_in_dim3A : vector<4096x1xf32> to vector<4096x512xf32>
    %add3A_12 = vector.broadcast %get3A_11 : vector<1x512xf32> to vector<4096x512xf32>
    %add3A_13 = arith.addf %add3A, %add3A_12 : vector<4096x512xf32>
    %mul3A_14 = arith.constant 2.000000e+00 : f32
    %mul3A_15 = vector.broadcast %mul3A_14 : f32 to vector<4096x512xf32>
    %mul3A_16 = arith.mulf %mul3A_15, %dot_general3A_8 : vector<4096x512xf32>
    %sub3A = arith.subf %add3A_13, %mul3A_16 : vector<4096x512xf32>
    %iota3A = tpu.iota {dimensions = array<i32: 1>} : vector<4096x512xi32>
    %reduce_min3A = arith.constant dense<0x7F800000> : vector<4096xf32>
    %reduce_min3A_17 = vector.multi_reduction <minimumf>, %sub3A, %reduce_min3A [1] : vector<4096x512xf32> to vector<4096xf32>
    %broadcast_in_dim3A_18 = vector.shape_cast %reduce_min3A_17 : vector<4096xf32> to vector<4096x1xf32>
    %eq3A = vector.broadcast %broadcast_in_dim3A_18 : vector<4096x1xf32> to vector<4096x512xf32>
    %eq3A_19 = arith.cmpf oeq, %sub3A, %eq3A : vector<4096x512xf32>
    %jit3A = arith.constant 512 : i32
    %broadcast_in_dim3A_20 = vector.broadcast %jit3A : i32 to vector<4096x512xi32>
    %select_n3A = arith.select %eq3A_19, %iota3A, %broadcast_in_dim3A_20 : vector<4096x512xi1>, vector<4096x512xi32>
    %reduce_min3A_21 = arith.constant dense<2147483647> : vector<4096xi32>
    %reduce_min3A_22 = vector.multi_reduction <minsi>, %select_n3A, %reduce_min3A_21 [1] : vector<4096x512xi32> to vector<4096xi32>
    %broadcast_in_dim3A_23 = vector.shape_cast %reduce_min3A_22 : vector<4096xi32> to vector<4096x1xi32>
    %swap3A = arith.constant 0 : index
    %swap3A_24 = arith.constant 0 : index
    %swap3A_25 = vector.load %arg5[%swap3A, %swap3A_24] : memref<4096x1xi32, #tpu.memory_space<vmem>>, vector<4096x1xi32>
    tpu.vector_store %arg5[%swap3A, %swap3A_24], %broadcast_in_dim3A_23 {strides = array<i32>} : memref<4096x1xi32, #tpu.memory_space<vmem>>, vector<4096x1xi32>,
    %eq3A_26 = vector.broadcast %broadcast_in_dim3A_23 : vector<4096x1xi32> to vector<4096x512xi32>
    %eq3A_27 = arith.cmpi eq, %iota3A, %eq3A_26 : vector<4096x512xi32>
    %convert_element_type3A = arith.extui %eq3A_27 : vector<4096x512xi1> to vector<4096x512xi32>
    %convert_element_type3A_28 = arith.sitofp %convert_element_type3A : vector<4096x512xi32> to vector<4096x512xf32>
    %get3A_29 = arith.constant 0 : index
    %get3A_30 = arith.constant 0 : index
    %get3A_31 = vector.load %arg4[%get3A_29, %get3A_30] : memref<512x32xf32, #tpu.memory_space<vmem>>, vector<512x32xf32>
    %dot_general3A_32 = arith.constant dense<0.000000e+00> : vector<32x4096xf32>
    %dot_general3A_33 = tpu.matmul %get3A_31, %convert_element_type3A_28, %dot_general3A_32 {dimension_numbers = #tpu.dot_dimension_numbers<[0], [1], [1], [0], [0, 1, 1, 0], [], []>, transpose_lhs_hint = false} : vector<512x32xf32>, vector<4096x512xf32>, vector<32x4096xf32> -> vector<32x4096xf32>
    %sub3A_34 = arith.subf %dot_general3A_33, %get3A_3 : vector<32x4096xf32>
    %add3A_35 = arith.addf %get3A_3, %sub3A_34 : vector<32x4096xf32>
    %swap3A_36 = arith.constant 0 : index
    %swap3A_37 = arith.constant 0 : index
    %swap3A_38 = arith.constant 0 : index
    %swap3A_39 = vector.load %arg6[%swap3A_36, %swap3A_37, %swap3A_38] : memref<1x32x4096xf32, #tpu.memory_space<vmem>>, vector<1x32x4096xf32>
    %swap3A_40 = vector.shape_cast %swap3A_39 : vector<1x32x4096xf32> to vector<32x4096xf32>
    %swap3A_41 = vector.shape_cast %add3A_35 : vector<32x4096xf32> to vector<1x32x4096xf32>
    tpu.vector_store %arg6[%swap3A_36, %swap3A_37, %swap3A_38], %swap3A_41 {strides = array<i32>} : memref<1x32x4096xf32, #tpu.memory_space<vmem>>, vector<1x32x4096xf32>,
    %sub3A_42 = arith.subf %dot_general3A_33, %get3A_3 : vector<32x4096xf32>
    %reduce_sum3A_43 = arith.constant dense<0.000000e+00> : vector<512xf32>
    %reduce_sum3A_44 = vector.multi_reduction <add>, %convert_element_type3A_28, %reduce_sum3A_43 [0] : vector<4096x512xf32> to vector<512xf32>
    %broadcast_in_dim3A_45 = vector.shape_cast %reduce_sum3A_44 : vector<512xf32> to vector<1x512xf32>
    %mul3A_46 = arith.mulf %sub3A_42, %sub3A_42 : vector<32x4096xf32>
    %reduce_sum3A_47 = vector.shape_cast %mul3A_46 : vector<32x4096xf32> to vector<1x32x4096xf32>
    %reduce_sum3A_48 = arith.constant dense<0.000000e+00> : vector<1xf32>
    %reduce_sum3A_49 = vector.multi_reduction <add>, %reduce_sum3A_47, %reduce_sum3A_48 [1, 2] : vector<1x32x4096xf32> to vector<1xf32>
    %reduce_sum3A_50 = vector.shape_cast %reduce_sum3A_49 : vector<1xf32> to vector<1x1x1xf32>
    %reduce_sum3A_51 = vector.extract %reduce_sum3A_50[0, 0, 0] : f32 from vector<1x1x1xf32>
    %eq3A_52 = arith.constant 0 : i32
    %eq3A_53 = arith.cmpi eq, %arg0, %eq3A_52 : i32
    %convert_element_type3A_54 = arith.extui %eq3A_53 : i1 to i32
    %cond3A = arith.constant 0 : i32
    %cond3A_55 = arith.cmpi ne, %convert_element_type3A_54, %cond3A : i32
    scf.if %cond3A_55 {
      %swap3A_60 = arith.constant 0 : index
      %swap3A_61 = arith.constant 0 : index
      %swap3A_62 = vector.load %arg7[%swap3A_60, %swap3A_61] : memref<1x512xf32, #tpu.memory_space<vmem>>, vector<1x512xf32>
      tpu.vector_store %arg7[%swap3A_60, %swap3A_61], %broadcast_in_dim3A_45 {strides = array<i32>} : memref<1x512xf32, #tpu.memory_space<vmem>>, vector<1x512xf32>,
      %swap3A_63 = arith.constant 0 : index
      %swap3A_64 = arith.constant 0 : index
      %swap3A_65 = memref.load %arg8[%swap3A_63, %swap3A_64] : memref<1x1xf32, #tpu.memory_space<smem>>
      memref.store %reduce_sum3A_51, %arg8[%swap3A_63, %swap3A_64] : memref<1x1xf32, #tpu.memory_space<smem>>
    } else {
    }
    %ne3A = arith.constant 0 : i32
    %ne3A_56 = arith.cmpi ne, %arg0, %ne3A : i32
    %convert_element_type3A_57 = arith.extui %ne3A_56 : i1 to i32
    %cond3A_58 = arith.constant 0 : i32
    %cond3A_59 = arith.cmpi ne, %convert_element_type3A_57, %cond3A_58 : i32
    scf.if %cond3A_59 {
      %get3A_60 = arith.constant 0 : index
      %get3A_61 = arith.constant 0 : index
      %get3A_62 = vector.load %arg7[%get3A_60, %get3A_61] : memref<1x512xf32, #tpu.memory_space<vmem>>, vector<1x512xf32>
      %add3A_63 = arith.addf %get3A_62, %broadcast_in_dim3A_45 : vector<1x512xf32>
      %swap3A_64 = arith.constant 0 : index
      %swap3A_65 = arith.constant 0 : index
      %swap3A_66 = vector.load %arg7[%swap3A_64, %swap3A_65] : memref<1x512xf32, #tpu.memory_space<vmem>>, vector<1x512xf32>
      tpu.vector_store %arg7[%swap3A_64, %swap3A_65], %add3A_63 {strides = array<i32>} : memref<1x512xf32, #tpu.memory_space<vmem>>, vector<1x512xf32>,
      %get3A_67 = arith.constant 0 : index
      %get3A_68 = arith.constant 0 : index
      %get3A_69 = memref.load %arg8[%get3A_67, %get3A_68] : memref<1x1xf32, #tpu.memory_space<smem>>
      %add3A_70 = arith.addf %get3A_69, %reduce_sum3A_51 : f32
      %swap3A_71 = arith.constant 0 : index
      %swap3A_72 = arith.constant 0 : index
      %swap3A_73 = memref.load %arg8[%swap3A_71, %swap3A_72] : memref<1x1xf32, #tpu.memory_space<smem>>
      memref.store %add3A_70, %arg8[%swap3A_71, %swap3A_72] : memref<1x1xf32, #tpu.memory_space<smem>>
    } else {
    }
    return
  }
  func.func @transform_0(%arg0: i32) -> (i32, i32, i32) {
    %jit3A = arith.constant 1 : i32
    %div3A = arith.divsi %arg0, %jit3A : i32
    %sign3A = arith.constant 0 : i32
    %sign3A_0 = arith.cmpi sgt, %arg0, %sign3A : i32
    %sign3A_1 = arith.extui %sign3A_0 : i1 to i32
    %sign3A_2 = arith.constant 0 : i32
    %sign3A_3 = arith.cmpi slt, %arg0, %sign3A_2 : i32
    %sign3A_4 = arith.extui %sign3A_3 : i1 to i32
    %sign3A_5 = arith.subi %sign3A_1, %sign3A_4 : i32
    %sign3A_6 = arith.constant 0 : i32
    %sign3A_7 = arith.cmpi sgt, %jit3A, %sign3A_6 : i32
    %sign3A_8 = arith.extui %sign3A_7 : i1 to i32
    %sign3A_9 = arith.constant 0 : i32
    %sign3A_10 = arith.cmpi slt, %jit3A, %sign3A_9 : i32
    %sign3A_11 = arith.extui %sign3A_10 : i1 to i32
    %sign3A_12 = arith.subi %sign3A_8, %sign3A_11 : i32
    %ne3A = arith.cmpi ne, %sign3A_5, %sign3A_12 : i32
    %rem3A = arith.remsi %arg0, %jit3A : i32
    %ne3A_13 = arith.constant 0 : i32
    %ne3A_14 = arith.cmpi ne, %rem3A, %ne3A_13 : i32
    %and3A = arith.andi %ne3A, %ne3A_14 : i1
    %sub3A = arith.constant 1 : i32
    %sub3A_15 = arith.subi %div3A, %sub3A : i32
    %select_n3A = arith.select %and3A, %sub3A_15, %div3A : i32
    %jit3A_16 = arith.constant 1 : i32
    %eq3A = arith.constant 0 : i32
    %eq3A_17 = arith.cmpi eq, %jit3A_16, %eq3A : i32
    %jit3A_18 = arith.constant 1 : i32
    %select_n3A_19 = arith.select %eq3A_17, %jit3A_18, %jit3A_16 : i32
    %rem3A_20 = arith.remsi %arg0, %select_n3A_19 : i32
    %ne3A_21 = arith.constant 0 : i32
    %ne3A_22 = arith.cmpi ne, %rem3A_20, %ne3A_21 : i32
    %lt3A = arith.constant 0 : i32
    %lt3A_23 = arith.cmpi slt, %rem3A_20, %lt3A : i32
    %lt3A_24 = arith.constant 0 : i32
    %lt3A_25 = arith.cmpi slt, %select_n3A_19, %lt3A_24 : i32
    %ne3A_26 = arith.xori %lt3A_23, %lt3A_25 : i1
    %and3A_27 = arith.andi %ne3A_26, %ne3A_22 : i1
    %add3A = arith.addi %rem3A_20, %select_n3A_19 : i32
    %select_n3A_28 = arith.select %and3A_27, %add3A, %rem3A_20 : i32
    %c0_i32 = arith.constant 0 : i32
    %c0_i32_29 = arith.constant 0 : i32
    return %select_n3A, %c0_i32, %select_n3A_28 : i32, i32, i32
  }
  func.func @transform_1(%arg0: i32) -> (i32, i32) {
    %c0_i32 = arith.constant 0 : i32
    %c0_i32_0 = arith.constant 0 : i32
    %c0_i32_1 = arith.constant 0 : i32
    return %c0_i32, %c0_i32_0 : i32, i32
  }
  func.func @transform_2(%arg0: i32) -> (i32, i32) {
    %c0_i32 = arith.constant 0 : i32
    %c0_i32_0 = arith.constant 0 : i32
    %c0_i32_1 = arith.constant 0 : i32
    return %c0_i32, %c0_i32_0 : i32, i32
  }
  func.func @transform_3(%arg0: i32) -> (i32, i32) {
    %c0_i32 = arith.constant 0 : i32
    %c0_i32_0 = arith.constant 0 : i32
    %c0_i32_1 = arith.constant 0 : i32
    return %c0_i32, %c0_i32_0 : i32, i32
  }
  func.func @transform_4(%arg0: i32) -> (i32, i32) {
    %c0_i32 = arith.constant 0 : i32
    %c0_i32_0 = arith.constant 0 : i32
    return %arg0, %c0_i32 : i32, i32
  }
  func.func @transform_5(%arg0: i32) -> (i32, i32, i32) {
    %jit3A = arith.constant 1 : i32
    %div3A = arith.divsi %arg0, %jit3A : i32
    %sign3A = arith.constant 0 : i32
    %sign3A_0 = arith.cmpi sgt, %arg0, %sign3A : i32
    %sign3A_1 = arith.extui %sign3A_0 : i1 to i32
    %sign3A_2 = arith.constant 0 : i32
    %sign3A_3 = arith.cmpi slt, %arg0, %sign3A_2 : i32
    %sign3A_4 = arith.extui %sign3A_3 : i1 to i32
    %sign3A_5 = arith.subi %sign3A_1, %sign3A_4 : i32
    %sign3A_6 = arith.constant 0 : i32
    %sign3A_7 = arith.cmpi sgt, %jit3A, %sign3A_6 : i32
    %sign3A_8 = arith.extui %sign3A_7 : i1 to i32
    %sign3A_9 = arith.constant 0 : i32
    %sign3A_10 = arith.cmpi slt, %jit3A, %sign3A_9 : i32
    %sign3A_11 = arith.extui %sign3A_10 : i1 to i32
    %sign3A_12 = arith.subi %sign3A_8, %sign3A_11 : i32
    %ne3A = arith.cmpi ne, %sign3A_5, %sign3A_12 : i32
    %rem3A = arith.remsi %arg0, %jit3A : i32
    %ne3A_13 = arith.constant 0 : i32
    %ne3A_14 = arith.cmpi ne, %rem3A, %ne3A_13 : i32
    %and3A = arith.andi %ne3A, %ne3A_14 : i1
    %sub3A = arith.constant 1 : i32
    %sub3A_15 = arith.subi %div3A, %sub3A : i32
    %select_n3A = arith.select %and3A, %sub3A_15, %div3A : i32
    %jit3A_16 = arith.constant 1 : i32
    %eq3A = arith.constant 0 : i32
    %eq3A_17 = arith.cmpi eq, %jit3A_16, %eq3A : i32
    %jit3A_18 = arith.constant 1 : i32
    %select_n3A_19 = arith.select %eq3A_17, %jit3A_18, %jit3A_16 : i32
    %rem3A_20 = arith.remsi %arg0, %select_n3A_19 : i32
    %ne3A_21 = arith.constant 0 : i32
    %ne3A_22 = arith.cmpi ne, %rem3A_20, %ne3A_21 : i32
    %lt3A = arith.constant 0 : i32
    %lt3A_23 = arith.cmpi slt, %rem3A_20, %lt3A : i32
    %lt3A_24 = arith.constant 0 : i32
    %lt3A_25 = arith.cmpi slt, %select_n3A_19, %lt3A_24 : i32
    %ne3A_26 = arith.xori %lt3A_23, %lt3A_25 : i1
    %and3A_27 = arith.andi %ne3A_26, %ne3A_22 : i1
    %add3A = arith.addi %rem3A_20, %select_n3A_19 : i32
    %select_n3A_28 = arith.select %and3A_27, %add3A, %rem3A_20 : i32
    %c0_i32 = arith.constant 0 : i32
    %c0_i32_29 = arith.constant 0 : i32
    return %select_n3A, %c0_i32, %select_n3A_28 : i32, i32, i32
  }
  func.func @transform_6(%arg0: i32) -> (i32, i32) {
    %c0_i32 = arith.constant 0 : i32
    %c0_i32_0 = arith.constant 0 : i32
    %c0_i32_1 = arith.constant 0 : i32
    return %c0_i32, %c0_i32_0 : i32, i32
  }
  func.func @transform_7(%arg0: i32) -> (i32, i32) {
    %c0_i32 = arith.constant 0 : i32
    %c0_i32_0 = arith.constant 0 : i32
    %c0_i32_1 = arith.constant 0 : i32
    return %c0_i32, %c0_i32_0 : i32, i32
  }
}

</mosaic_0001>

<sc_bundles>
// kernel: kernel.4.cloned.1.call-start
scs
__scs_entry_jumppad:
0x0: {  	(pc) =	sbr.rel $0x88, $3  }
0x1: {  	(tag) =	ssettag $0x0;
	lr =	simm.s32 $0x1  }
0x2: {  	[smem:$0x3F9F] =	sst lr;
	_ =	strace $0xD0000000  }
0x3: {  	_ = 	snop  }
0x4: {  	_ = 	snop  }
0x5: {  	_ = 	snop  }
0x6: {  	_ = 	snop  }
0x7: {  	_ = 	snop  }
__scs_overlays_trampoline_lowered:
0x8: {  	[smem:$0x3FAE] =	sst s0  }
0x9: {  	[smem:$0x3FAF] =	sst s1  }
0xa: {  	[smem:$0x3FB0] =	sst s2  }
0xb: {  	[smem:$0x3FB1] =	sst s3  }
0xc: {  	[smem:$0x3FB2] =	sst s4  }
0xd: {  	[smem:$0x3FB3] =	sst s5  }
0xe: {  	[smem:$0x3FB4] =	sst s6  }
0xf: {  	[smem:$0x3FB5] =	sst s7  }
0x10: {  	[smem:$0x3FB6] =	sst s8  }
0x11: {  	[smem:$0x3FB7] =	sst s9;
	s0 =	simm.s32 @!p0 $0x0  }
0x12: {  	s1 =	sld [smem:$0x3F9D];
	s0 =	simm.s32 @p0 $0x1  }
0x13: {  	[smem:$0x3FB8] =	sst s0;
	s0 =	simm.s32 @!p1 $0x0  }
0x14: {  	s2 =	sld [smem:$0x3F9C];
	s0 =	simm.s32 @p1 $0x1  }
0x15: {  	[smem:$0x3FB9] =	sst s0;
	s0 =	simm.s32 @!p2 $0x0  }
0x16: {  	s3 =	sld [smem:$0x3FDB];
	s0 =	simm.s32 @p2 $0x1  }
0x17: {  	s4 =	simm.s32 $0x1BF5;
	[smem:$0x3FBB] =	sst s0  }
0x18: {  	s0 =	sld [smem:$0x3F9E];
	_ =	swait.ge [sflag:s4], $0x0  }
0x19: {  	s7 =	sld [smem:$0x3F9F]  }
0x1a: {  	s8 =	sadd.s32 $0xFFFFE003, lr  }
0x1b: {  	s9 =	sadd.s32 $0xFFFFFEF7, lr;
	s5 =	simm.s32 $0xFFFFFFFF;
	p2 =	slt.u32 s8, $0xFFFFF086  }
0x1c: {  	p1 =	slt.u32 s9, $0xF7A;
	s5 =	simm.s32 @!p2 $0x0  }
0x1d: {  	s5 =	simm.s32 @p1 $0x1;
	p0 =	seq.s32 s7, s2  }
0x1e: {  	s7 =	smul.u32 @!p0 $0xF7A, s2;
	p2 =	seq.s32 @!p0 s5, $0x0  }
0x1f: {  	s9 =	smul.u32 $0xF7A, s1;
	s8 =	simm.s32 @!p0 $0x1BF5;
	p2 =	por !p2, p0  }
0x20: {  	[sflag:s8] =	ssyncset.s32 @!p0 $0xFFFFF086;
	s6 =	sadd.s32 @!p0 s3, s7;
	s7 =	simm.s32 @!p0 $0x108  }
0x21: {  	s3 =	sadd.s32 s3, s9;
	s6 =	sadd.s32 @!p0 $0x88, s6;
	s7 =	simm.s32 @p2 $0x1082  }
0x22: {  	[simem:s7], [sflag:s8] =	dma.local @!p0 [hbm:s6], $0xF7A  }
0x23: {  	s9 =	sor.u32 $0xD0000000, s2;
	s6 =	simm.s32 $0x108;
	_ =	swait.ge @!p0 [sflag:s8], $0x0  }
0x24: {  	s3 =	sadd.s32 $0x88, s3;
	s6 =	simm.s32 @!p1 $0x1082;
	[sflag:s4] =	ssyncset.s32 $0xFFFFF086  }
0x25: {  	[simem:s6], [sflag:s4] =	dma.local [hbm:s3], $0xF7A  }
0x26: {  	[smem:$0x3F9F] =	sst s1;
	(tag) =	ssettag s2;
	_ =	strace s9  }
0x27: {  	s1 =	sld [smem:$0x3FAF]  }
0x28: {  	s2 =	sld [smem:$0x3FB0]  }
0x29: {  	s4 =	sld [smem:$0x3FB2]  }
0x2a: {  	p0 =	seq.s32 s5, $0x0;
	s5 =	sld [smem:$0x3FB3]  }
0x2b: {  	s6 =	sld [smem:$0x3FB4]  }
0x2c: {  	s7 =	sld [smem:$0x3FB5]  }
0x2d: {  	s3 =	simm.s32 $0x108;
	s8 =	sld [smem:$0x3FB6]  }
0x2e: {  	s3 =	simm.s32 @!p0 $0x1082;
	s9 =	sld [smem:$0x3FB7]  }
0x2f: {  	lr =	sadd.s32 s0, s3;
	s0 =	sld [smem:$0x3FAE]  }
0x30: {  	s3 =	sld [smem:$0x3FB1]  }
0x31: {  	[smem:$0x3FBA] =	sst s10  }
0x32: {  	s10 =	sld [smem:$0x3FB8];
	_ =	sdelay $0x3  }
0x33: {  	p0 =	seq.s32 s10, $0x1;
	s10 =	sld [smem:$0x3FBA];
	_ =	sdelay $0x3  }
0x34: {  	[smem:$0x3FBA] =	sst s10  }
0x35: {  	s10 =	sld [smem:$0x3FB9];
	_ =	sdelay $0x3  }
0x36: {  	p1 =	seq.s32 s10, $0x1;
	s10 =	sld [smem:$0x3FBA];
	_ =	sdelay $0x3  }
0x37: {  	[smem:$0x3FBA] =	sst s10  }
0x38: {  	s10 =	sld [smem:$0x3FBB]  }
0x39: {  	_ = 	snop;
	(pc) =	sbr.ind lr, $3  }
0x3a: {  	_ = 	snop  }
0x3b: {  	_ = 	snop  }
0x3c: {  	p2 =	seq.s32 s10, $0x1;
	s10 =	sld [smem:$0x3FBA]  }
0x3d: {  	_ =	shalt  }
0x3e: {  	_ =	shalt  }
0x3f: {  	_ =	shalt  }
0x40: {  	_ =	shalt  }
0x41: {  	_ =	shalt  }
0x42: {  	_ =	shalt  }
0x43: {  	_ =	shalt  }
0x44: {  	_ =	shalt  }
0x45: {  	_ =	shalt  }
0x46: {  	_ =	shalt  }
0x47: {  	_ =	shalt  }
0x48: {  	_ =	shalt  }
0x49: {  	_ =	shalt  }
0x4a: {  	_ =	shalt  }
0x4b: {  	_ =	shalt  }
0x4c: {  	_ =	shalt  }
0x4d: {  	_ =	shalt  }
0x4e: {  	_ =	shalt  }
0x4f: {  	_ =	shalt  }
0x50: {  	_ =	shalt  }
0x51: {  	_ =	shalt  }
0x52: {  	_ =	shalt  }
0x53: {  	_ =	shalt  }
0x54: {  	_ =	shalt  }
0x55: {  	_ =	shalt  }
0x56: {  	_ =	shalt  }
0x57: {  	_ =	shalt  }
0x58: {  	_ =	shalt  }
0x59: {  	_ =	shalt  }
0x5a: {  	_ =	shalt  }
0x5b: {  	_ =	shalt  }
0x5c: {  	_ =	shalt  }
0x5d: {  	_ =	shalt  }
0x5e: {  	_ =	shalt  }
0x5f: {  	_ =	shalt  }
0x60: {  	_ =	shalt  }
0x61: {  	_ =	shalt  }
0x62: {  	_ =	shalt  }
0x63: {  	_ =	shalt  }
0x64: {  	_ =	shalt  }
0x65: {  	_ =	shalt  }
0x66: {  	_ =	shalt  }
0x67: {  	_ =	shalt  }
0x68: {  	_ =	shalt  }
0x69: {  	_ =	shalt  }
0x6a: {  	_ =	shalt  }
0x6b: {  	_ =	shalt  }
0x6c: {  	_ =	shalt  }
0x6d: {  	_ =	shalt  }
0x6e: {  	_ =	shalt  }
0x6f: {  	_ =	shalt  }
0x70: {  	_ =	shalt  }
0x71: {  	_ =	shalt  }
0x72: {  	_ =	shalt  }
0x73: {  	_ =	shalt  }
0x74: {  	_ =	shalt  }
0x75: {  	_ =	shalt  }
0x76: {  	_ =	shalt  }
0x77: {  	_ =	shalt  }
0x78: {  	_ =	shalt  }
0x79: {  	_ =	shalt  }
0x7a: {  	_ =	shalt  }
0x7b: {  	_ =	shalt  }
0x7c: {  	_ =	shalt  }
0x7d: {  	_ =	shalt  }
0x7e: {  	_ =	shalt  }
0x7f: {  	_ =	shalt  }
0x80: {  	_ =	shalt  }
0x81: {  	_ =	shalt  }
0x82: {  	_ =	shalt  }
0x83: {  	_ =	shalt  }
0x84: {  	_ =	shalt  }
0x85: {  	_ =	shalt  }
0x86: {  	_ =	shalt  }
0x87: {  	_ =	shalt  }
.Lfunc_end0:
.L_simem_size_0:
called_computation_lowered:
.L_overlay_start_0:
0x88: {  	s2 =	sld [smem:$0x3FD9]  }
0x89: {  	s3 =	sld [smem:$0x3FFE];
	_ =	sdelay $0x1  }
0x8a: {  	s1 =	srdreg.scid  }
0x8b: {  	s0 =	sand.u32 $0x1, s1  }
0x8c: {  	s14 =	sshll.u32 s0, $0xA;
	s2 =	sadd.s32 s3, s2  }
0x8d: {  	s2 =	sadd.s32 s2, s14  }
0x8e: {  	[smem:$0x3FC6] =	sst s2  }
0x8f: {  	_ = 	snop  }
0x90: {  	s2 =	sld [smem:$0x3FD0];
	_ =	sdelay $0x2  }
0x91: {  	s15 =	simm.s32 $0xA;
	s4 =	simm.s32 $0x10  }
0x92: {  	[smem:s4], [sflag:s15] =	dma.local [hbm:s2], $0x1  }
0x93: {  	_ =	swait.eq [sflag:s15], $0x1  }
0x94: {  	[sflag:s15] =	ssyncset.done $0x0  }
0x95: {  	[sflag:s15] =	ssyncadd.s32 $0xFFFFFFFF  }
0x96: {  	s16 =	sld [smem:$0x13];
	(tm) =	ssettm $0x1  }
0x97: {  	s17 =	sld [smem:$0x3FFB];
	_ =	sdelay $0x3  }
0x98: {  	_ =	strace s17  }
0x99: {  	s3 =	sld [smem:$0x3FFC];
	_ =	sdelay $0x3  }
0x9a: {  	_ =	strace s3  }
0x9b: {  	s3 =	sld [smem:$0x3FFD];
	_ =	sdelay $0x3  }
0x9c: {  	_ =	strace s3  }
0x9d: {  	_ =	strace $0x8FFFFFFF  }
0x9e: {  	s18 =	sld [smem:$0x3FDB];
	_ =	sdelay $0x1  }
0x9f: {  	s19 =	simm.s32 $_scs_section_size  }
0xa0: {  	s5 =	simm.s32 $_size__tile_overlayer_lowered;
	s6 =	simm.s32 $_tile_overlayer_lowered  }
0xa1: {  	s22 =	simm.s32 $0x1BFF;
	s21 =	sshll.u32 s6, $0x1;
	s3 =	sadd.s32 s19, s18  }
0xa2: {  	s7 =	simm.s32 $0x0;
	s20 =	sshll.u32 s5, $0x1;
	s5 =	sadd.s32 s21, s3  }
0xa3: {  	[timem:s7], [sflag:s22] =	dma.local [hbm:s5], s20  }
0xa4: {  	_ =	swait.ge [sflag:s22], s20  }
0xa5: {  	s4 =	ssub.s32 $0x0, s20;
	[sflag:s22] =	ssyncset.done $0x0  }
0xa6: {  	[sflag:s22] =	ssyncadd.s32 s4;
	_ =	sdelay $0x1  }
0xa7: {  	s23 =	simm.s32 $0x1B8B  }
0xa8: {  	_ =	swait.ge [sflag:s23], $0x1  }
0xa9: {  	[sflag:s23] =	ssyncset.done $0x0  }
0xaa: {  	s25 =	simm.s32 $0x1B8E;
	s24 =	sld [smem:$0x3FFE];
	[sflag:s23] =	ssyncadd.s32 $0xFFFFFFFF  }
0xab: {  	s26 =	simm.s32 $execute0_lowered;
	[smem:$0x3FD2] =	sst s25  }
0xac: {  	s5 =	sshll.u32 s26, $0x1;
	_ =	strace $0x80000046;
	[dreg:$0x1] =	wrdreg $0xFFFFFFFF  }
0xad: {  	s28 =	simm.s32 $_size_execute0_lowered;
	s3 =	sadd.s32 s3, s5;
	[dreg:$0x0] =	wrdreg $0x0  }
0xae: {  	s5 =	sshll.u32 s28, $0x1;
	[dreg:$0x2] =	wrdreg s3  }
0xaf: {  	[dreg:$0x3] =	wrdreg s5  }
0xb0: {  	[dreg:$0x4] =	wrdreg $0xC0  }
0xb1: {  	_ =	task [dreg:s7], $0x5FFFF  }
0xb2: {  	[dreg:$0x1] =	wrdreg $0xFFFFFFFF  }
0xb3: {  	[dreg:$0x0] =	wrdreg $0x60  }
0xb4: {  	[dreg:$0x2] =	wrdreg s24  }
0xb5: {  	[dreg:$0x3] =	wrdreg s16  }
0xb6: {  	[dreg:$0x4] =	wrdreg $0x9  }
0xb7: {  	_ =	task.clear_ibuf [dreg:s7], $0x5FFFF;
	_ =	strace $0x90000046  }
0xb8: {  	s29 =	simm.s32 $0x9;
	_ =	strace $0x80000048  }
0xb9: {  	_ =	swait.ge [sflag:s29], $0x1  }
0xba: {  	[sflag:s29] =	ssyncadd.s32 $0xFFFFFFFF  }
0xbb: {  	_ =	strace $0x90000048  }
0xbc: {  	_ =	sfence  }
0xbd: {  	s30 =	sld [smem:$0x0];
	_ =	sdelay $0x2  }
0xbe: {  	s31 =	sshll.u32 s1, $0xD;
	s1 =	sshrl.u32 s1, $0x2  }
0xbf: {  	s3 =	sand.u32 $0x4000, s31;
	s1 =	sadd.s32 s1, s30  }
0xc0: {  	s0 =	sor.u32 s3, s0;
	s1 =	sshll.u32 s1, $0x11  }
0xc1: {  	s0 =	sor.u32 s1, s0  }
0xc2: {  	s0 =	sadd.s32 $0x8F2B, s0  }
0xc3: {  	[sflag:s0] =	ssyncadd.remote.s32 $0x1  }
0xc4: {  	_ =	sfence.sel $0xFFFF  }
0xc5: {  	[dreg:$0x0] =	wrdreg $0xFFFFFFFF;
	(pc) =	sbr.abs _section_cstart, $3  }
0xc6: {  	[dreg:$0x1] =	wrdreg $0xFFFFFFFF  }
0xc7: {  	_ =	task.clear_ibuf [dreg:s7], $0x2FFFF;
	_ =	strace $0x9FFFFFFF  }
0xc8: {  	(tm) =	ssettm $0x7FFFFFFF  }
0xc9: {  	_ =	shalt  }
tec
execute0_lowered:
.L_overlay_start_1:
0x0: {  	(tag) =	ssettag $0x1  }
0x1: {  	v0 =	vimm.s32 $0x1380;
	vm14 =	vcmask $0x300  }
0x2: {  	vm13 =	vcmask $0x704;
	vm12 =	vcmask $0xB08;
	vm11 =	vcmask $0xF0C  }
0x3: {  	vm10 =	vcmask $0x1310;
	vm9 =	vcmask $0x1714;
	vm8 =	vcmask $0x1B18  }
0x4: {  	vm7 =	vcmask $0x1F1C;
	vm6 =	vcmask $0x2320;
	vm5 =	vcmask $0x2724  }
0x5: {  	vm4 =	vcmask $0x2B28;
	vm3 =	vcmask $0x2F2C;
	vm2 =	vcmask $0x3330  }
0x6: {  	vm1 =	vcmask $0x3734;
	vm0 =	vcmask $0x3B38;
	v4 =	vimm.f32 $1.000000000e+00  }
0x7: {  	v5 =	vimm.s32 $0x3380;
	v6 =	vimm.s32 $0x5380;
	v7 =	vimm.s32 $0x7380  }
0x8: {  	v0 =	vsel vm14, $0x0, v0;
	v5 =	vsel vm14, $0x2000, v5;
	v6 =	vsel vm14, $0x4000, v6  }
0x9: {  	v7 =	vsel vm14, $0x6000, v7;
	v0 =	vsel vm13, $0x80, v0;
	v5 =	vsel vm13, $0x2080, v5  }
0xa: {  	v6 =	vsel vm13, $0x4080, v6;
	v7 =	vsel vm13, $0x6080, v7;
	v0 =	vsel vm12, $0x100, v0  }
0xb: {  	v5 =	vsel vm12, $0x2100, v5;
	v6 =	vsel vm12, $0x4100, v6;
	v7 =	vsel vm12, $0x6100, v7  }
0xc: {  	v0 =	vsel vm11, $0x180, v0;
	v5 =	vsel vm11, $0x2180, v5;
	v6 =	vsel vm11, $0x4180, v6  }
0xd: {  	v7 =	vsel vm11, $0x6180, v7;
	v0 =	vsel vm10, $0x200, v0;
	v5 =	vsel vm10, $0x2200, v5  }
0xe: {  	v6 =	vsel vm10, $0x4200, v6;
	v7 =	vsel vm10, $0x6200, v7;
	v0 =	vsel vm9, $0x280, v0  }
0xf: {  	v5 =	vsel vm9, $0x2280, v5;
	v6 =	vsel vm9, $0x4280, v6;
	v7 =	vsel vm9, $0x6280, v7  }
0x10: {  	v0 =	vsel vm8, $0x300, v0;
	v5 =	vsel vm8, $0x2300, v5;
	v6 =	vsel vm8, $0x4300, v6  }
0x11: {  	v7 =	vsel vm8, $0x6300, v7;
	v0 =	vsel vm7, $0x380, v0;
	v5 =	vsel vm7, $0x2380, v5  }
0x12: {  	v6 =	vsel vm7, $0x4380, v6;
	v7 =	vsel vm7, $0x6380, v7;
	v0 =	vsel vm6, $0x1000, v0  }
0x13: {  	s3 =	rddreg [dreg:$0x0];
	v5 =	vsel vm6, $0x3000, v5;
	v6 =	vsel vm6, $0x5000, v6;
	v7 =	vsel vm6, $0x7000, v7  }
0x14: {  	s4 =	rddreg [dreg:$0x1];
	s2 =	srdreg.scid;
	v0 =	vsel vm5, $0x1080, v0;
	v5 =	vsel vm5, $0x3080, v5;
	v6 =	vsel vm5, $0x5080, v6  }
0x15: {  	s0 =	rddreg [dreg:$0x2];
	s1 =	stileid.u32;
	v7 =	vsel vm5, $0x7080, v7;
	v0 =	vsel vm4, $0x1100, v0;
	v5 =	vsel vm4, $0x3100, v5  }
0x16: {  	s5 =	sand.u32 $0x1, s2;
	s2 =	simm.s32 $0x0;
	s6 =	sshll.u32 s1, $0xC;
	v6 =	vsel vm4, $0x5100, v6;
	v7 =	vsel vm4, $0x7100, v7;
	v1 =	vsel vm3, $0x1180, v0  }
0x17: {  	s8 =	sshll.u32 s1, $0x12;
	s7 =	sshll.u32 s5, $0xB;
	[smem:$0x7FF] =	sst s2;
	v0 =	vlaneseq.u32;
	v5 =	vsel vm3, $0x3180, v5;
	v6 =	vsel vm3, $0x5180, v6  }
0x18: {  	s30 =	ssub.s32 $0x2, s5;
	s4 =	sadd.s32 s8, s4;
	s5 =	sshll.u32 s5, $0x11;
	v7 =	vsel vm3, $0x7180, v7;
	v2 =	vsel vm2, $0x1200, v1;
	v1 =	vimm.s32 $0x0  }
0x19: {  	s8 =	simm.s32 $0x0;
	s6 =	sor.u32 s7, s6;
	_ =	strace $0x80000047;
	v5 =	vsel vm2, $0x3200, v5;
	v6 =	vsel vm2, $0x5200, v6;
	v7 =	vsel vm2, $0x7200, v7  }
0x1a: {  	s31 =	sshrl.u32 s30, $0x1;
	s4 =	sadd.s32 s5, s4;
	s6 =	sshrl.u32 s6, $0x3;
	v3 =	vsel vm1, $0x1280, v2;
	v2 =	vimm.f32 $0.0e+00;
	v5 =	vsel vm1, $0x3280, v5  }
0x1b: {  	s7 =	simm.s32 $0x1;
	s6 =	sadd.s32 s6, s3;
	s3 =	ssub.s32 s30, s31;
	v6 =	vsel vm1, $0x5280, v6;
	v7 =	vsel vm1, $0x7280, v7;
	v3 =	vsel vm0, $0x1300, v3  }
0x1c: {  	s3 =	smax.u32 s3, $0x1;
	s5 =	sadd.s32 $0x200, s6;
	s6 =	simm.s32 $0x80;
	v5 =	vsel vm0, $0x3300, v5;
	v6 =	vsel vm0, $0x5300, v6;
	v7 =	vsel vm0, $0x7300, v7  }
.LBB2_1:
0x1d: {  	v10 =	vor.u32 s2, v0  }
0x1e: {  	v11 =	vmov s2;
	v8 =	vand.u32 $0x1FF, v10  }
0x1f: {  	vm0 =	veq.s32 v11, v0;
	vm1 =	vne.s32 v8, $0x0  }
0x20: {  	s9 =	simm.s32 $0x10;
	vm0 =	vmand vm0, vm1  }
0x21: {  	v12 =	vshrl.u32 v11, $0x9;
	v9 =	vor.u32 s9, v0;
	v13 =	vsel vm0, $0xFFFFFFFF, v1  }
0x22: {  	v11 =	vshll.u32 v11, $0x3;
	v8 =	vmov s9;
	v12 =	vadd.s32 v13, v12  }
0x23: {  	v14 =	vand.u32 $0xC00, v11;
	v13 =	vand.u32 $0x7F, v10;
	v10 =	vshll.u32 v12, $0x9  }
0x24: {  	s9 =	simm.s32 $0x20;
	v11 =	vand.u32 $0xFFFFF000, v10;
	v10 =	vshll.u32 v12, $0x7;
	v12 =	vor.u32 v13, v14  }
.LBB2_2:
0x25: {  	p0 =	seq.s32 s9, $0x7FF0;
	v13 =	vand.u32 $0x1FF, v9;
	v10 =	vand.u32 $0x380, v10;
	v11 =	vor.u32 v11, v12  }
0x26: {  	vm0 =	veq.s32 v8, v0;
	vm1 =	vne.s32 v13, $0x0;
	v13 =	vor.u32 v10, v11  }
.Ltmp0:
0x27: {  	vm0 =	vmand vm0, vm1;
	(pc) =	sbr.rel @!p0 .LBB2_2-.Ltmp0, $4  }
0x28: {  	v10 =	vmov s9;
	v11 =	vshrl.u32 v8, $0x9;
	v12 =	vsel vm0, $0xFFFFFFFF, v1  }
0x29: {  	v14 =	vor.u32 s9, v0;
	v12 =	vadd.s32 v12, v11;
	v11 =	vshll.u32 v8, $0x3;
	v8 =	vmovc v10  }
0x2a: {  	v15 =	vand.u32 $0x7F, v9;
	v9 =	vmovc v14;
	v10 =	vshll.u32 v12, $0x9;
	v16 =	vand.u32 $0xC00, v11  }
0x2b: {  	s9 =	sadd.s32 $0x10, s9;
	v11 =	vand.u32 $0xFFFFF000, v10;
	v10 =	vshll.u32 v12, $0x7;
	v12 =	vor.u32 v15, v16;
	[tilespmem:v13+s6+$0x0] =	vst.idx.msk $0xffff, v2  }
0x2c: {  	v13 =	vand.u32 $0x1FF, v9  }
0x2d: {  	vm0 =	veq.s32 v8, v0;
	vm1 =	vne.s32 v13, $0x0  }
0x2e: {  	vm0 =	vmand vm0, vm1  }
0x2f: {  	v11 =	vor.u32 v11, v12;
	v59 =	vshrl.u32 v8, $0x9;
	v60 =	vsel vm0, $0xFFFFFFFF, v1  }
0x30: {  	v10 =	vand.u32 $0x380, v10;
	v8 =	vshll.u32 v8, $0x3;
	v12 =	vadd.s32 v60, v59  }
0x31: {  	v61 =	vand.u32 $0x7F, v9;
	v8 =	vand.u32 $0xC00, v8;
	v13 =	vshll.u32 v12, $0x9  }
0x32: {  	v8 =	vor.u32 v61, v8;
	v12 =	vshll.u32 v12, $0x7;
	v13 =	vand.u32 $0xFFFFF000, v13  }
0x33: {  	v62 =	vor.u32 v10, v11;
	v63 =	vand.u32 $0x380, v12;
	v8 =	vor.u32 v13, v8  }
0x34: {  	v8 =	vor.u32 v63, v8;
	_ =	sdelay $0x3  }
0x35: {  	[tilespmem:v62+s6+$0x0] =	vst.idx.msk $0xffff, v2  }
0x36: {  	s9 =	simm.s32 $0x0;
	s10 =	smov.u32 s4;
	[tilespmem:v8+s6+$0x0] =	vst.idx.msk $0xffff, v2  }
.LBB2_4:
0x37: {  	s11 =	sadd.s32 s9, s5  }
0x38: {  	[tilespmem:s2], [sflag:$0x1] =	stream.linear.gather [hbm4b:s11+s2], $0x40, $0x38;
	[tilespmem:$0x8080] =	vst v63  }
0x39: {  	_ =	swait.ge [sflag:s7], $0x40  }
0x3a: {  	[sflag:s7] =	ssyncset.done $0x0  }
0x3b: {  	[sflag:s7] =	ssyncadd.s32 $0xFFFFFFC0  }
0x3c: {  	v8 =	vld [tilespmem:$0x0];
	_ =	sdelay $0x4  }
0x3d: {  	v9 =	vshll.u32 v8, $0x3  }
0x3e: {  	v8 =	vand.u32 $0x7F, v8;
	v9 =	vand.u32 $0xFFFFFC00, v9  }
0x3f: {  	v8 =	vor.u32 v8, v9  }
0x40: {  	v8 =	vadd.s32 v3, v8;
	_ =	sdelay $0x4  }
0x41: {  	[tilespmem:v8+s6+$0x0] =	vst.idx.msk $0xffff, v4  }
0x42: {  	v8 =	vld [tilespmem:$0x10];
	_ =	sdelay $0x4  }
0x43: {  	v57 =	vshll.u32 v8, $0x3  }
0x44: {  	v8 =	vand.u32 $0x7F, v8;
	v9 =	vand.u32 $0xFFFFFC00, v57  }
0x45: {  	v8 =	vor.u32 v8, v9  }
0x46: {  	v8 =	vadd.s32 v5, v8;
	_ =	sdelay $0x4  }
0x47: {  	[tilespmem:v8+s6+$0x0] =	vst.idx.msk $0xffff, v4  }
0x48: {  	v8 =	vld [tilespmem:$0x20];
	_ =	sdelay $0x4  }
0x49: {  	v58 =	vshll.u32 v8, $0x3  }
0x4a: {  	v8 =	vand.u32 $0x7F, v8;
	v9 =	vand.u32 $0xFFFFFC00, v58  }
0x4b: {  	v8 =	vor.u32 v8, v9  }
0x4c: {  	v8 =	vadd.s32 v6, v8;
	_ =	sdelay $0x4  }
0x4d: {  	[tilespmem:v8+s6+$0x0] =	vst.idx.msk $0xffff, v4  }
0x4e: {  	v8 =	vld [tilespmem:$0x30];
	_ =	sdelay $0x4  }
0x4f: {  	v59 =	vshll.u32 v8, $0x3  }
0x50: {  	v8 =	vand.u32 $0x7F, v8;
	v9 =	vand.u32 $0xFFFFFC00, v59  }
0x51: {  	v8 =	vor.u32 v8, v9  }
0x52: {  	v8 =	vadd.s32 v7, v8;
	_ =	sdelay $0x4  }
0x53: {  	[tilespmem:v8+s6+$0x0] =	vst.idx.msk $0xffff, v4  }
0x54: {  	[hbm4b:s10+s2] =	stream.linear.scatter [tilespmem:s6], [sflag:$0x1], $0x8000, $0x38;
	[tilespmem:$0x8080] =	vst v63  }
0x55: {  	_ =	swait.ge [sflag:s7], $0x8000  }
0x56: {  	[sflag:s7] =	ssyncset.done $0x0  }
0x57: {  	[sflag:s7] =	ssyncadd.s32 $0xFFFF8000  }
0x58: {  	v8 =	vld [tilespmem:$0x0];
	_ =	sdelay $0x4  }
0x59: {  	v60 =	vshll.u32 v8, $0x3  }
0x5a: {  	v8 =	vand.u32 $0x7F, v8;
	v9 =	vand.u32 $0xFFFFFC00, v60  }
0x5b: {  	v8 =	vor.u32 v8, v9  }
0x5c: {  	v8 =	vadd.s32 v3, v8;
	_ =	sdelay $0x4  }
0x5d: {  	[tilespmem:v8+s6+$0x0] =	vst.idx.msk $0xffff, v2  }
0x5e: {  	v8 =	vld [tilespmem:$0x10];
	_ =	sdelay $0x4  }
0x5f: {  	v61 =	vshll.u32 v8, $0x3  }
0x60: {  	v8 =	vand.u32 $0x7F, v8;
	v9 =	vand.u32 $0xFFFFFC00, v61  }
0x61: {  	v8 =	vor.u32 v8, v9  }
0x62: {  	v8 =	vadd.s32 v5, v8;
	_ =	sdelay $0x4  }
0x63: {  	[tilespmem:v8+s6+$0x0] =	vst.idx.msk $0xffff, v2  }
0x64: {  	v8 =	vld [tilespmem:$0x20];
	_ =	sdelay $0x4  }
0x65: {  	v62 =	vshll.u32 v8, $0x3  }
0x66: {  	v8 =	vand.u32 $0x7F, v8;
	v9 =	vand.u32 $0xFFFFFC00, v62  }
0x67: {  	v8 =	vor.u32 v8, v9  }
0x68: {  	v8 =	vadd.s32 v6, v8;
	_ =	sdelay $0x4  }
0x69: {  	[tilespmem:v8+s6+$0x0] =	vst.idx.msk $0xffff, v2  }
0x6a: {  	v8 =	vld [tilespmem:$0x30];
	_ =	sdelay $0x4  }
0x6b: {  	v63 =	vshll.u32 v8, $0x3  }
0x6c: {  	v8 =	vand.u32 $0x7F, v8;
	v9 =	vand.u32 $0xFFFFFC00, v63  }
0x6d: {  	v8 =	vor.u32 v8, v9  }
0x6e: {  	p0 =	sne.s32 s9, $0xF8;
	v8 =	vadd.s32 v7, v8  }
.Ltmp1:
0x6f: {  	_ = 	snop;
	(pc) =	sbr.rel @p0 .LBB2_4-.Ltmp1, $2  }
0x70: {  	_ =	sdelay $0x2  }
0x71: {  	s9 =	sadd.s32 $0x8, s9;
	s10 =	sadd.s32 $0x1000, s10;
	[tilespmem:v8+s6+$0x0] =	vst.idx.msk $0xffff, v2  }
0x72: {  	s8 =	sadd.s32 $0x1, s8  }
0x73: {  	p0 =	sne.s32 s8, s3  }
.Ltmp2:
0x74: {  	_ = 	snop;
	(pc) =	sbr.rel @p0 .LBB2_1-.Ltmp2, $1  }
0x75: {  	_ =	sdelay $0x3  }
0x76: {  	_ =	sfence.sel $0x180000  }
0x77: {  	[bflag:$0x0] =	sbarrier.arrive $0xFFFF  }
0x78: {  	p0 =	sne.s32 s1, $0x0;
	_ =	strace $0x90000047  }
0x79: {  	s0 =	sadd.s32 @!p0 $0x100000, s0;
	[bflag:$0x2] =	sbarrier.arrive $0xFFFF  }
0x7a: {  	[sflag:s0] =	ssyncadd.tile.s32 @!p0 $0x1;
	_ =	shalt  }
.Lfunc_end2:
_tile_overlayer_lowered:
.L_overlay_start_2:
0x7b: {  	(tag) =	ssettag $0x2  }
0x7c: {  	s0 =	rddreg [dreg:$0x0];
	s2 =	stileid.u32  }
0x7d: {  	s1 =	rddreg [dreg:$0x1];
	p0 =	sne.s32 s2, $0x0  }
0x7e: {  	s3 =	rddreg [dreg:$0x2];
	[bflag:$0x3] =	sbarrier.arrive $0xFFFF;
	s2 =	simm.s32 @!p0 $0x1C01  }
0x7f: {  	[timem:s3], [sflag:s2] =	dma.local @!p0 [hbm:s0], s1  }
0x80: {  	s0 =	simm.s32 @!p0 $0x1  }
0x81: {  	_ =	swait.ge @!p0 [sflag:s0], s1  }
0x82: {  	s1 =	ssub.s32 @!p0 $0x0, s1;
	[sflag:s0] =	ssyncset.done @!p0 $0x0  }
0x83: {  	[sflag:s0] =	ssyncadd.s32 @!p0 s1  }
0x84: {  	[bflag:$0x3] =	sbarrier.arrive $0xFFFF  }
0x85: {  	_ =	shalt  }

</sc_bundles>
